<compile_context>
chip_gen: v7x
topology: tpu7x:2x2x1
jax: 0.10.2.dev20260603
libtpu: 0.0.44.dev20260713+nightly
codegen_flags: <defaults>
</compile_context>

<pallas_src>
import functools

import jax
import jax.numpy as jnp
from jax import lax
from jax.experimental import pallas as pl
from jax.experimental.pallas import tpu as pltpu
from jax.experimental.pallas import tpu_sc as plsc

_B = 16
_L = 2048
_V = 100000
_WE = 100
_TN = 7
_TE = 20
_EN = 81
_IE = 20
_SD = 256
_GD = 128
_BANK = _SD + 3 * _GD
_P = 512
_R = 97
_EP = 96
_NO = _R + 2
_MB = 1


_WEP = 128


def _prep_body(x_ref, wp_ref, o_ref, wp16_ref):
    o_ref[...] = jnp.concatenate(
        [x_ref[...], jnp.zeros((x_ref.shape[0], _WEP - _WE), jnp.float32)], axis=1)
    wp16_ref[...] = wp_ref[...].astype(jnp.bfloat16)


def _prep_tc(table, wp):
    blk = 5000
    grid = _V // blk
    wblk = (5 * _BANK) // grid
    return pl.pallas_call(
        _prep_body,
        grid=(grid,),
        in_specs=[pl.BlockSpec((blk, _WE), lambda i: (i, 0)),
                  pl.BlockSpec((wblk, 5 * _BANK), lambda i: (i, 0))],
        out_specs=[pl.BlockSpec((blk, _WEP), lambda i: (i, 0)),
                   pl.BlockSpec((wblk, 5 * _BANK), lambda i: (i, 0))],
        out_shape=[jax.ShapeDtypeStruct((_V, _WEP), jnp.float32),
                   jax.ShapeDtypeStruct((5 * _BANK, 5 * _BANK), jnp.bfloat16)],
    )(table, wp)


def _sc_word_gather(table_p, idx):
    n = idx.shape[0]
    info = plsc.get_sparse_core_info()
    nw = info.num_cores * info.num_subcores
    per = n // nw
    chunk = 512
    mesh = plsc.VectorSubcoreMesh(core_axis_name="c", subcore_axis_name="s")

    @functools.partial(
        pl.kernel,
        mesh=mesh,
        out_type=jax.ShapeDtypeStruct((n, _WEP), jnp.float32),
        scratch_types=[
            pltpu.VMEM((chunk,), jnp.int32),
            pltpu.VMEM((chunk, _WEP), jnp.float32),
            pltpu.SemaphoreType.DMA,
        ],
    )
    def k(table_hbm, idx_hbm, out_hbm, idx_v, rows_v, sem):
        wid = lax.axis_index("s") * info.num_cores + lax.axis_index("c")
        for c in range(per // chunk):
            base = wid * per + c * chunk
            pltpu.sync_copy(idx_hbm.at[pl.ds(base, chunk)], idx_v)
            pltpu.async_copy(table_hbm.at[idx_v], rows_v, sem).wait()
            pltpu.sync_copy(rows_v, out_hbm.at[pl.ds(base, chunk)])

    return k(table_p, idx)


def _fused_body(wemb_ref, tid_ref, eid_ref, mask_ref, hidx_ref, tidx_ref,
                rmask_ref, pinfo_ref, ww_ref, wt_ref, wi_ref, tt_ref, it_ref,
                benc_ref, wg0_ref, bg0_ref, wg1_ref, bg1_ref, wg2_ref, bg2_ref,
                wp_ref, bp_ref, wob_ref, bob_ref, m_ref, b_ref, feats_ref):
    f32 = jnp.float32
    bf16 = jnp.bfloat16
    t2 = jnp.dot(tt_ref[...], wt_ref[...], preferred_element_type=f32)
    i2 = jnp.dot(it_ref[...], wi_ref[...], preferred_element_type=f32)

    for s in range(_MB):
        wemb = wemb_ref[s]
        tid = tid_ref[s]
        eid = eid_ref[s]
        msk = mask_ref[s]

        oh_t = (tid == lax.broadcasted_iota(jnp.int32, (_L, _TN), 1)).astype(f32)
        oh_e = (eid == lax.broadcasted_iota(jnp.int32, (_L, _EP), 1)).astype(f32)

        enc = (jnp.dot(wemb, ww_ref[...], preferred_element_type=f32)
               + jnp.dot(oh_t, t2, preferred_element_type=f32)
               + jnp.dot(oh_e, i2, preferred_element_type=f32)
               + benc_ref[...])
        enc = jnp.maximum(enc, 0.0) * msk

        dn = (((0,), (0,)), ((), ()))
        ent_sum = lax.dot_general(oh_e, enc, dn, preferred_element_type=f32)
        cnt = lax.dot_general(oh_e, jnp.ones((_L, 1), f32), dn,
                              preferred_element_type=f32)
        ent_x = ent_sum * (1.0 / jnp.maximum(cnt, 1.0))

        x1 = jnp.maximum(jnp.dot(ent_x, wg0_ref[...], preferred_element_type=f32)
                         + bg0_ref[...], 0.0)
        x2 = jnp.maximum(jnp.dot(x1, wg1_ref[...], preferred_element_type=f32)
                         + bg1_ref[...], 0.0)
        x3 = jnp.maximum(jnp.dot(x2, wg2_ref[...], preferred_element_type=f32)
                         + bg2_ref[...], 0.0)
        bank = jnp.concatenate([ent_x, x1, x2, x3], axis=1)

        hidx = hidx_ref[s]
        tidx = tidx_ref[s]
        hm = jnp.where(hidx == 0, 0, hidx - 1)
        tm = jnp.where(tidx == 0, 0, tidx - 1)
        oh_h = (hm == lax.broadcasted_iota(jnp.int32, (_P, _EP), 1)).astype(f32)
        oh_tt = (tm == lax.broadcasted_iota(jnp.int32, (_P, _EP), 1)).astype(f32)
        h_feas = jnp.dot(oh_h, bank, preferred_element_type=f32)
        t_feas = jnp.dot(oh_tt, bank, preferred_element_type=f32)
        pinfo = pinfo_ref[s] * rmask_ref[s]

        r = pl.ds(s * _P, _P)
        feats_ref[r, 0:_BANK] = h_feas.astype(bf16)
        feats_ref[r, _BANK:2 * _BANK] = t_feas.astype(bf16)
        feats_ref[r, 2 * _BANK:3 * _BANK] = jnp.abs(h_feas - t_feas).astype(bf16)
        feats_ref[r, 3 * _BANK:4 * _BANK] = (h_feas * t_feas).astype(bf16)
        feats_ref[r, 4 * _BANK:5 * _BANK] = pinfo.astype(bf16)

    hdn = jnp.dot(feats_ref[...], wp_ref[...], preferred_element_type=f32) + bp_ref[...]
    hdn = jnp.maximum(hdn, 0.0)

    out = (jnp.dot(hdn.astype(bf16), wob_ref[...], preferred_element_type=f32)
           + bob_ref[...])
    for s in range(_MB):
        m_ref[s] = out[s * _P:(s + 1) * _P, 0:_R]
        b_ref[s] = out[s * _P:(s + 1) * _P, _R:_NO]


def kernel(words, mask, entity_type, entity_id, h_t_pairs, relation_mask,
           path_info, word_table, type_table, id_table, W_enc, b_enc,
           W_gcn0, b_gcn0, W_gcn1, b_gcn1, W_gcn2, b_gcn2, W_pred, b_pred,
           W_out, b_out, W_bin, b_bin):
    f32 = jnp.float32
    table_p, wp16 = _prep_tc(word_table, W_pred)
    wemb = _sc_word_gather(table_p, words.reshape(-1).astype(jnp.int32))
    wemb = wemb.reshape(_B, _L, _WEP)

    tid = entity_type.astype(jnp.int32).reshape(_B, _L, 1)
    eid = entity_id.astype(jnp.int32).reshape(_B, _L, 1)
    msk = mask.astype(f32).reshape(_B, _L, 1)
    hidx = h_t_pairs[:, :, 0].astype(jnp.int32).reshape(_B, _P, 1)
    tidx = h_t_pairs[:, :, 1].astype(jnp.int32).reshape(_B, _P, 1)
    rmask = relation_mask.astype(f32).reshape(_B, _P, 1)

    ww = jnp.pad(W_enc[:_WE], ((0, _WEP - _WE), (0, 0)))
    wt = W_enc[_WE:_WE + _TE]
    wi = W_enc[_WE + _TE:]
    it_p = jnp.pad(id_table, ((0, _EP - _EN), (0, 0)))
    wob = jnp.concatenate([W_out, W_bin], axis=1).astype(jnp.bfloat16)
    bob = jnp.concatenate([b_out, b_bin]).reshape(1, _NO)

    kf = 5 * _BANK
    whole = lambda *s: pl.BlockSpec(s, lambda b: (0,) * len(s))
    batched = lambda *s: pl.BlockSpec((_MB,) + s, lambda b: (b, 0, 0))

    m_preds, b_preds = pl.pallas_call(
        _fused_body,
        grid=(_B // _MB,),
        in_specs=[
            batched(_L, _WEP),
            batched(_L, 1),
            batched(_L, 1),
            batched(_L, 1),
            batched(_P, 1),
            batched(_P, 1),
            batched(_P, 1),
            batched(_P, _BANK),
            whole(_WEP, _SD),
            whole(_TE, _SD),
            whole(_TE, _SD),
            whole(_TN, _TE),
            whole(_EP, _IE),
            whole(1, _SD),
            whole(_SD, _GD),
            whole(1, _GD),
            whole(_GD, _GD),
            whole(1, _GD),
            whole(_GD, _GD),
            whole(1, _GD),
            whole(kf, kf),
            whole(1, kf),
            whole(kf, _NO),
            whole(1, _NO),
        ],
        out_specs=[pl.BlockSpec((_MB, _P, _R), lambda b: (b, 0, 0)),
                   pl.BlockSpec((_MB, _P, 2), lambda b: (b, 0, 0))],
        out_shape=[jax.ShapeDtypeStruct((_B, _P, _R), f32),
                   jax.ShapeDtypeStruct((_B, _P, 2), f32)],
        scratch_shapes=[pltpu.VMEM((_MB * _P, kf), jnp.bfloat16)],
        compiler_params=pltpu.CompilerParams(vmem_limit_bytes=100 * 1024 * 1024),
    )(wemb, tid, eid, msk, hidx, tidx, rmask, path_info, ww, wt, wi,
      type_table, it_p, b_enc.reshape(1, _SD), W_gcn0, b_gcn0.reshape(1, _GD),
      W_gcn1, b_gcn1.reshape(1, _GD), W_gcn2, b_gcn2.reshape(1, _GD),
      wp16, b_pred.reshape(1, kf), wob, bob)

    return (m_preds, b_preds)

# --- scband reference (transcript-rebuilt; emitter-appended) ---
"""Pipeline reference for scband-gain-glove-19851338842924 (READ-ONLY COPY).

The authoritative reference and input builder live on the scoring server;
editing this copy changes nothing except your own understanding.
"""

import jax, jax.numpy as jnp
import numpy as np

B = 16; L = 2048; V = 100000; WE = 100; TN = 7; TE = 20; EN = 81; IE = 20
SD = 256; GD = 128; BANK = SD + GD * 3; P = 512; R = 97


def setup_inputs(seed: int = 0):
    key = jax.random.key(seed)
    ks = jax.random.split(key, 16)
    words = jax.random.randint(ks[0], (B, L), 0, V)
    mask = jnp.ones((B, L), jnp.float32)
    entity_type = jax.random.randint(ks[1], (B, L), 0, TN)
    entity_id = jax.random.randint(ks[2], (B, L), 0, EN)
    h_t_pairs = jax.random.randint(ks[3], (B, P, 2), 0, EN)
    relation_mask = jnp.ones((B, P), jnp.float32)
    path_info = jax.random.normal(ks[4], (B, P, BANK), jnp.float32)
    word_table = jax.random.normal(ks[5], (V, WE), jnp.float32) * 0.02
    type_table = jax.random.normal(ks[6], (TN, TE), jnp.float32) * 0.02
    id_table = jax.random.normal(ks[7], (EN, IE), jnp.float32) * 0.02
    W_enc = jax.random.normal(ks[8], (WE + TE + IE, SD), jnp.float32) * 0.05
    b_enc = jnp.zeros((SD,), jnp.float32)
    W_gcn0 = jax.random.normal(ks[9], (SD, GD), jnp.float32) * 0.05
    b_gcn0 = jnp.zeros((GD,), jnp.float32)
    W_gcn1 = jax.random.normal(ks[10], (GD, GD), jnp.float32) * 0.05
    b_gcn1 = jnp.zeros((GD,), jnp.float32)
    W_gcn2 = jax.random.normal(ks[11], (GD, GD), jnp.float32) * 0.05
    b_gcn2 = jnp.zeros((GD,), jnp.float32)
    W_pred = jax.random.normal(ks[12], (BANK * 5, BANK * 5), jnp.float32) * 0.01
    b_pred = jnp.zeros((BANK * 5,), jnp.float32)
    W_out = jax.random.normal(ks[13], (BANK * 5, R), jnp.float32) * 0.02
    b_out = jnp.zeros((R,), jnp.float32)
    W_bin = jax.random.normal(ks[14], (BANK * 5, 2), jnp.float32) * 0.02
    b_bin = jnp.zeros((2,), jnp.float32)
    return {"words": words, "mask": mask, "entity_type": entity_type, "entity_id": entity_id,
            "h_t_pairs": h_t_pairs, "relation_mask": relation_mask, "path_info": path_info,
            "word_table": word_table, "type_table": type_table, "id_table": id_table,
            "W_enc": W_enc, "b_enc": b_enc, "W_gcn0": W_gcn0, "b_gcn0": b_gcn0,
            "W_gcn1": W_gcn1, "b_gcn1": b_gcn1, "W_gcn2": W_gcn2, "b_gcn2": b_gcn2,
            "W_pred": W_pred, "b_pred": b_pred, "W_out": W_out, "b_out": b_out,
            "W_bin": W_bin, "b_bin": b_bin}


def reference(words, mask, entity_type, entity_id, h_t_pairs, relation_mask, path_info,
              word_table, type_table, id_table, W_enc, b_enc, W_gcn0, b_gcn0,
              W_gcn1, b_gcn1, W_gcn2, b_gcn2, W_pred, b_pred, W_out, b_out, W_bin, b_bin):
    # embedding lookups (word + entity type + entity id), as in GAIN_GLOVE
    emb = jnp.concatenate([
        jnp.take(word_table, words, axis=0),
        jnp.take(type_table, entity_type, axis=0),
        jnp.take(id_table, entity_id, axis=0),
    ], axis=-1)
    # encoder projection to start_dim (stand-in for BiLSTM), masked like encoder_outputs[mask==0]=0
    enc = jax.nn.relu(emb @ W_enc + b_enc) * mask[..., None]
    # entity node features: mean-pool token features per entity_id (sub2word @ encoder_output)
    oh = jax.nn.one_hot(entity_id, EN, dtype=enc.dtype)
    ent_sum = jnp.einsum('ble,bld->bed', oh, enc)
    cnt = jnp.clip(jnp.sum(oh, axis=1), 1.0)[..., None]
    ent_x = ent_sum / cnt
    # start_GCN + stacked GCN layers, concatenating xs along feature dim
    xs = [ent_x]
    x = jax.nn.relu(ent_x @ W_gcn0 + b_gcn0); xs.append(x)
    x = jax.nn.relu(x @ W_gcn1 + b_gcn1); xs.append(x)
    x = jax.nn.relu(x @ W_gcn2 + b_gcn2); xs.append(x)
    entity_bank = jnp.concatenate(xs, axis=-1)  # [B, EN, BANK]
    # h_t_pairs = h_t_pairs + (h_t_pairs == 0) - 1
    htp = h_t_pairs + (h_t_pairs == 0).astype(h_t_pairs.dtype) - 1
    h_idx = jnp.broadcast_to(htp[:, :, 0][..., None], (B, P, BANK))
    t_idx = jnp.broadcast_to(htp[:, :, 1][..., None], (B, P, BANK))
    h_feas = jnp.take_along_axis(entity_bank, h_idx, axis=1)
    t_feas = jnp.take_along_axis(entity_bank, t_idx, axis=1)
    pinfo = path_info * relation_mask[..., None]
    feats = jnp.concatenate([h_feas, t_feas, jnp.abs(h_feas - t_feas),
                             h_feas * t_feas, pinfo], axis=-1)
    hdn = jax.nn.relu(feats @ W_pred + b_pred)  # dropout is identity in eval
    m_preds = hdn @ W_out + b_out
    b_preds = hdn @ W_bin + b_bin
    return (m_preds, b_preds)

if __name__ == "__main__":
    import jax
    _d = setup_inputs()
    print(jax.jit(kernel)(*tuple(_d.values())))

</pallas_src>

<mosaic_0001>
#map = affine_map<(d0, d1) -> (0, 0)>
#map1 = affine_map<(d0, d1) -> (0)>
module attributes {stable_mosaic.version = 14 : i64} {
  func.func @k(%arg0: i32, %arg1: i32, %arg2: memref<100000x128xf32, #tpu.memory_space<hbm>>, %arg3: memref<32768xi32, #tpu.memory_space<hbm>>, %arg4: memref<32768x128xf32, #tpu.memory_space<hbm>>, %arg5: memref<512xi32, #tpu.memory_space<vmem>>, %arg6: memref<512x128xf32, #tpu.memory_space<vmem>>, %arg7: memref<!tpu.dma_semaphore, #tpu.memory_space<semaphore_mem>>) attributes {dimension_semantics = [#tpu.dimension_semantics<core_parallel>, #tpu.dimension_semantics<subcore_parallel>], iteration_bounds = array<i64: 2, 16>, scalar_prefetch = 0 : i64, scratch_operands = 3 : i64, tpu.core_type = #tpu.core_type<sc_vector_subcore>, window_params = [{transform_indices = #map}, {transform_indices = #map1}, {transform_indices = #map}]} {
    %mul3A = arith.constant 2 : i32
    %mul3A_0 = arith.muli %arg1, %mul3A : i32
    %add3A = arith.addi %mul3A_0, %arg0 : i32
    %mul3A_1 = arith.constant 1024 : i32
    %mul3A_2 = arith.muli %add3A, %mul3A_1 : i32
    %add3A_3 = arith.constant 0 : i32
    %add3A_4 = arith.addi %mul3A_2, %add3A_3 : i32
    "tpu.region"() ({
      %run_scoped3A = tpu.sem_alloc : memref<!tpu.dma_semaphore, #tpu.memory_space<semaphore_mem>>
      %dma_start3A_19 = tpu.memref_slice %arg3[%add3A_4] : memref<32768xi32, #tpu.memory_space<hbm>> -> memref<512xi32, #tpu.memory_space<hbm>>
      %dma_start3A_20 = tpu.memref_slice %arg3[%add3A_4] : memref<32768xi32, #tpu.memory_space<hbm>> -> memref<512xi32, #tpu.memory_space<hbm>>
      tpu.enqueue_dma source(%dma_start3A_20 : memref<512xi32, #tpu.memory_space<hbm>>) target(%arg5 : memref<512xi32, #tpu.memory_space<vmem>>) target_semaphore(%run_scoped3A : memref<!tpu.dma_semaphore, #tpu.memory_space<semaphore_mem>>)
      %dma_wait3A_21 = tpu.memref_slice %arg3[%add3A_4] : memref<32768xi32, #tpu.memory_space<hbm>> -> memref<512xi32, #tpu.memory_space<hbm>>
      %dma_wait3A_22 = tpu.memref_slice %arg3[%add3A_4] : memref<32768xi32, #tpu.memory_space<hbm>> -> memref<512xi32, #tpu.memory_space<hbm>>
      tpu.wait_dma2 semaphore(%run_scoped3A : memref<!tpu.dma_semaphore, #tpu.memory_space<semaphore_mem>>) src(%dma_wait3A_22 : memref<512xi32, #tpu.memory_space<hbm>>) dst(%arg5 : memref<512xi32, #tpu.memory_space<vmem>>)
      tpu.yield
    }) : () -> ()
    %dma_start3A = arith.constant 0 : i32
    %dma_start3A_5 = arith.constant 0 : i32
    %dma_start3A_6 = tpu.memref_slice %arg2[%dma_start3A, %dma_start3A_5] : memref<100000x128xf32, #tpu.memory_space<hbm>> -> memref<100000x128xf32, #tpu.memory_space<hbm>>
    tpu.enqueue_indirect_dma source(%dma_start3A_6 : memref<100000x128xf32, #tpu.memory_space<hbm>>) target(%arg6 : memref<512x128xf32, #tpu.memory_space<vmem>>) offsets(%arg5 : memref<512xi32, #tpu.memory_space<vmem>>) semaphore(%arg7 : memref<!tpu.dma_semaphore, #tpu.memory_space<semaphore_mem>>)
    %dma_wait3A = arith.constant 0 : i32
    %dma_wait3A_7 = arith.constant 0 : i32
    %dma_wait3A_8 = tpu.memref_slice %arg2[%dma_wait3A, %dma_wait3A_7] : memref<100000x128xf32, #tpu.memory_space<hbm>> -> memref<100000x128xf32, #tpu.memory_space<hbm>>
    tpu.wait_indirect_dma semaphore(%arg7 : memref<!tpu.dma_semaphore, #tpu.memory_space<semaphore_mem>>) src(%dma_wait3A_8 : memref<100000x128xf32, #tpu.memory_space<hbm>>) dst(%arg6 : memref<512x128xf32, #tpu.memory_space<vmem>>)
    "tpu.region"() ({
      %run_scoped3A = tpu.sem_alloc : memref<!tpu.dma_semaphore, #tpu.memory_space<semaphore_mem>>
      %dma_start3A_19 = arith.constant 0 : i32
      %dma_start3A_20 = tpu.memref_slice %arg4[%add3A_4, %dma_start3A_19] : memref<32768x128xf32, #tpu.memory_space<hbm>> -> memref<512x128xf32, #tpu.memory_space<hbm>>
      %dma_start3A_21 = arith.constant 0 : i32
      %dma_start3A_22 = tpu.memref_slice %arg4[%add3A_4, %dma_start3A_21] : memref<32768x128xf32, #tpu.memory_space<hbm>> -> memref<512x128xf32, #tpu.memory_space<hbm>>
      tpu.enqueue_dma source(%arg6 : memref<512x128xf32, #tpu.memory_space<vmem>>) target(%dma_start3A_22 : memref<512x128xf32, #tpu.memory_space<hbm>>) target_semaphore(%run_scoped3A : memref<!tpu.dma_semaphore, #tpu.memory_space<semaphore_mem>>)
      %dma_wait3A_23 = arith.constant 0 : i32
      %dma_wait3A_24 = tpu.memref_slice %arg4[%add3A_4, %dma_wait3A_23] : memref<32768x128xf32, #tpu.memory_space<hbm>> -> memref<512x128xf32, #tpu.memory_space<hbm>>
      %dma_wait3A_25 = arith.constant 0 : i32
      %dma_wait3A_26 = tpu.memref_slice %arg4[%add3A_4, %dma_wait3A_25] : memref<32768x128xf32, #tpu.memory_space<hbm>> -> memref<512x128xf32, #tpu.memory_space<hbm>>
      tpu.wait_dma2 semaphore(%run_scoped3A : memref<!tpu.dma_semaphore, #tpu.memory_space<semaphore_mem>>) src(%arg6 : memref<512x128xf32, #tpu.memory_space<vmem>>) dst(%dma_wait3A_26 : memref<512x128xf32, #tpu.memory_space<hbm>>)
      tpu.yield
    }) : () -> ()
    %mul3A_9 = arith.constant 1024 : i32
    %mul3A_10 = arith.muli %add3A, %mul3A_9 : i32
    %add3A_11 = arith.constant 512 : i32
    %add3A_12 = arith.addi %mul3A_10, %add3A_11 : i32
    "tpu.region"() ({
      %run_scoped3A = tpu.sem_alloc : memref<!tpu.dma_semaphore, #tpu.memory_space<semaphore_mem>>
      %dma_start3A_19 = tpu.memref_slice %arg3[%add3A_12] : memref<32768xi32, #tpu.memory_space<hbm>> -> memref<512xi32, #tpu.memory_space<hbm>>
      %dma_start3A_20 = tpu.memref_slice %arg3[%add3A_12] : memref<32768xi32, #tpu.memory_space<hbm>> -> memref<512xi32, #tpu.memory_space<hbm>>
      tpu.enqueue_dma source(%dma_start3A_20 : memref<512xi32, #tpu.memory_space<hbm>>) target(%arg5 : memref<512xi32, #tpu.memory_space<vmem>>) target_semaphore(%run_scoped3A : memref<!tpu.dma_semaphore, #tpu.memory_space<semaphore_mem>>)
      %dma_wait3A_21 = tpu.memref_slice %arg3[%add3A_12] : memref<32768xi32, #tpu.memory_space<hbm>> -> memref<512xi32, #tpu.memory_space<hbm>>
      %dma_wait3A_22 = tpu.memref_slice %arg3[%add3A_12] : memref<32768xi32, #tpu.memory_space<hbm>> -> memref<512xi32, #tpu.memory_space<hbm>>
      tpu.wait_dma2 semaphore(%run_scoped3A : memref<!tpu.dma_semaphore, #tpu.memory_space<semaphore_mem>>) src(%dma_wait3A_22 : memref<512xi32, #tpu.memory_space<hbm>>) dst(%arg5 : memref<512xi32, #tpu.memory_space<vmem>>)
      tpu.yield
    }) : () -> ()
    %dma_start3A_13 = arith.constant 0 : i32
    %dma_start3A_14 = arith.constant 0 : i32
    %dma_start3A_15 = tpu.memref_slice %arg2[%dma_start3A_13, %dma_start3A_14] : memref<100000x128xf32, #tpu.memory_space<hbm>> -> memref<100000x128xf32, #tpu.memory_space<hbm>>
    tpu.enqueue_indirect_dma source(%dma_start3A_15 : memref<100000x128xf32, #tpu.memory_space<hbm>>) target(%arg6 : memref<512x128xf32, #tpu.memory_space<vmem>>) offsets(%arg5 : memref<512xi32, #tpu.memory_space<vmem>>) semaphore(%arg7 : memref<!tpu.dma_semaphore, #tpu.memory_space<semaphore_mem>>)
    %dma_wait3A_16 = arith.constant 0 : i32
    %dma_wait3A_17 = arith.constant 0 : i32
    %dma_wait3A_18 = tpu.memref_slice %arg2[%dma_wait3A_16, %dma_wait3A_17] : memref<100000x128xf32, #tpu.memory_space<hbm>> -> memref<100000x128xf32, #tpu.memory_space<hbm>>
    tpu.wait_indirect_dma semaphore(%arg7 : memref<!tpu.dma_semaphore, #tpu.memory_space<semaphore_mem>>) src(%dma_wait3A_18 : memref<100000x128xf32, #tpu.memory_space<hbm>>) dst(%arg6 : memref<512x128xf32, #tpu.memory_space<vmem>>)
    "tpu.region"() ({
      %run_scoped3A = tpu.sem_alloc : memref<!tpu.dma_semaphore, #tpu.memory_space<semaphore_mem>>
      %dma_start3A_19 = arith.constant 0 : i32
      %dma_start3A_20 = tpu.memref_slice %arg4[%add3A_12, %dma_start3A_19] : memref<32768x128xf32, #tpu.memory_space<hbm>> -> memref<512x128xf32, #tpu.memory_space<hbm>>
      %dma_start3A_21 = arith.constant 0 : i32
      %dma_start3A_22 = tpu.memref_slice %arg4[%add3A_12, %dma_start3A_21] : memref<32768x128xf32, #tpu.memory_space<hbm>> -> memref<512x128xf32, #tpu.memory_space<hbm>>
      tpu.enqueue_dma source(%arg6 : memref<512x128xf32, #tpu.memory_space<vmem>>) target(%dma_start3A_22 : memref<512x128xf32, #tpu.memory_space<hbm>>) target_semaphore(%run_scoped3A : memref<!tpu.dma_semaphore, #tpu.memory_space<semaphore_mem>>)
      %dma_wait3A_23 = arith.constant 0 : i32
      %dma_wait3A_24 = tpu.memref_slice %arg4[%add3A_12, %dma_wait3A_23] : memref<32768x128xf32, #tpu.memory_space<hbm>> -> memref<512x128xf32, #tpu.memory_space<hbm>>
      %dma_wait3A_25 = arith.constant 0 : i32
      %dma_wait3A_26 = tpu.memref_slice %arg4[%add3A_12, %dma_wait3A_25] : memref<32768x128xf32, #tpu.memory_space<hbm>> -> memref<512x128xf32, #tpu.memory_space<hbm>>
      tpu.wait_dma2 semaphore(%run_scoped3A : memref<!tpu.dma_semaphore, #tpu.memory_space<semaphore_mem>>) src(%arg6 : memref<512x128xf32, #tpu.memory_space<vmem>>) dst(%dma_wait3A_26 : memref<512x128xf32, #tpu.memory_space<hbm>>)
      tpu.yield
    }) : () -> ()
    return
  }
}

module attributes {stable_mosaic.version = 14 : i64} {
  func.func @_prep_body(%arg0: i32, %arg1: memref<5000x100xf32, #tpu.memory_space<vmem>>, %arg2: memref<160x3200xf32, #tpu.memory_space<vmem>>, %arg3: memref<5000x128xf32, #tpu.memory_space<vmem>>, %arg4: memref<160x3200xbf16, #tpu.memory_space<vmem>>) attributes {dimension_semantics = [#tpu.dimension_semantics<arbitrary>], iteration_bounds = array<i64: 20>, scalar_prefetch = 0 : i64, scratch_operands = 0 : i64, tpu.core_type = #tpu.core_type<tc>, window_params = [{transform_indices = @transform_0, window_bounds = array<i64: 5000, 100>}, {transform_indices = @transform_1, window_bounds = array<i64: 160, 3200>}, {transform_indices = @transform_2, window_bounds = array<i64: 5000, 128>}, {transform_indices = @transform_3, window_bounds = array<i64: 160, 3200>}]} {
    %get3A = arith.constant 0 : index
    %get3A_0 = arith.constant 0 : index
    %get3A_1 = vector.load %arg1[%get3A, %get3A_0] : memref<5000x100xf32, #tpu.memory_space<vmem>>, vector<5000x100xf32>
    %broadcast_in_dim3A = arith.constant 0.000000e+00 : f32
    %broadcast_in_dim3A_2 = vector.broadcast %broadcast_in_dim3A : f32 to vector<5000x28xf32>
    %concatenate3A = tpu.concatenate %get3A_1, %broadcast_in_dim3A_2 in 1 : vector<5000x100xf32>, vector<5000x28xf32> -> vector<5000x128xf32>
    %swap3A = arith.constant 0 : index
    %swap3A_3 = arith.constant 0 : index
    %swap3A_4 = vector.load %arg3[%swap3A, %swap3A_3] : memref<5000x128xf32, #tpu.memory_space<vmem>>, vector<5000x128xf32>
    tpu.vector_store %arg3[%swap3A, %swap3A_3], %concatenate3A {strides = array<i32>} : memref<5000x128xf32, #tpu.memory_space<vmem>>, vector<5000x128xf32>,
    %get3A_5 = arith.constant 0 : index
    %get3A_6 = arith.constant 0 : index
    %get3A_7 = vector.load %arg2[%get3A_5, %get3A_6] : memref<160x3200xf32, #tpu.memory_space<vmem>>, vector<160x3200xf32>
    %convert_element_type3A = arith.truncf %get3A_7 : vector<160x3200xf32> to vector<160x3200xbf16>
    %swap3A_8 = arith.constant 0 : index
    %swap3A_9 = arith.constant 0 : index
    %swap3A_10 = vector.load %arg4[%swap3A_8, %swap3A_9] : memref<160x3200xbf16, #tpu.memory_space<vmem>>, vector<160x3200xbf16>
    tpu.vector_store %arg4[%swap3A_8, %swap3A_9], %convert_element_type3A {strides = array<i32>} : memref<160x3200xbf16, #tpu.memory_space<vmem>>, vector<160x3200xbf16>,
    return
  }
  func.func @transform_0(%arg0: i32) -> (i32, i32) {
    %c0_i32 = arith.constant 0 : i32
    %c0_i32_0 = arith.constant 0 : i32
    return %arg0, %c0_i32 : i32, i32
  }
  func.func @transform_1(%arg0: i32) -> (i32, i32) {
    %c0_i32 = arith.constant 0 : i32
    %c0_i32_0 = arith.constant 0 : i32
    return %arg0, %c0_i32 : i32, i32
  }
  func.func @transform_2(%arg0: i32) -> (i32, i32) {
    %c0_i32 = arith.constant 0 : i32
    %c0_i32_0 = arith.constant 0 : i32
    return %arg0, %c0_i32 : i32, i32
  }
  func.func @transform_3(%arg0: i32) -> (i32, i32) {
    %c0_i32 = arith.constant 0 : i32
    %c0_i32_0 = arith.constant 0 : i32
    return %arg0, %c0_i32 : i32, i32
  }
}

module attributes {stable_mosaic.version = 14 : i64} {
  func.func @_fused_body(%arg0: i32, %arg1: memref<1x2048x128xf32, #tpu.memory_space<vmem>>, %arg2: memref<1x2048x1xi32, #tpu.memory_space<vmem>>, %arg3: memref<1x2048x1xi32, #tpu.memory_space<vmem>>, %arg4: memref<1x2048x1xf32, #tpu.memory_space<vmem>>, %arg5: memref<1x512x1xi32, #tpu.memory_space<vmem>>, %arg6: memref<1x512x1xi32, #tpu.memory_space<vmem>>, %arg7: memref<1x512x1xf32, #tpu.memory_space<vmem>>, %arg8: memref<1x512x640xf32, #tpu.memory_space<vmem>>, %arg9: memref<128x256xf32, #tpu.memory_space<vmem>>, %arg10: memref<20x256xf32, #tpu.memory_space<vmem>>, %arg11: memref<20x256xf32, #tpu.memory_space<vmem>>, %arg12: memref<7x20xf32, #tpu.memory_space<vmem>>, %arg13: memref<96x20xf32, #tpu.memory_space<vmem>>, %arg14: memref<1x256xf32, #tpu.memory_space<vmem>>, %arg15: memref<256x128xf32, #tpu.memory_space<vmem>>, %arg16: memref<1x128xf32, #tpu.memory_space<vmem>>, %arg17: memref<128x128xf32, #tpu.memory_space<vmem>>, %arg18: memref<1x128xf32, #tpu.memory_space<vmem>>, %arg19: memref<128x128xf32, #tpu.memory_space<vmem>>, %arg20: memref<1x128xf32, #tpu.memory_space<vmem>>, %arg21: memref<3200x3200xbf16, #tpu.memory_space<vmem>>, %arg22: memref<1x3200xf32, #tpu.memory_space<vmem>>, %arg23: memref<3200x99xbf16, #tpu.memory_space<vmem>>, %arg24: memref<1x99xf32, #tpu.memory_space<vmem>>, %arg25: memref<1x512x97xf32, #tpu.memory_space<vmem>>, %arg26: memref<1x512x2xf32, #tpu.memory_space<vmem>>, %arg27: memref<512x3200xbf16, #tpu.memory_space<vmem>>) attributes {dimension_semantics = [#tpu.dimension_semantics<arbitrary>], iteration_bounds = array<i64: 16>, scalar_prefetch = 0 : i64, scratch_operands = 1 : i64, tpu.core_type = #tpu.core_type<tc>, window_params = [{transform_indices = @transform_0, window_bounds = array<i64: 1, 2048, 128>}, {transform_indices = @transform_1, window_bounds = array<i64: 1, 2048, 1>}, {transform_indices = @transform_2, window_bounds = array<i64: 1, 2048, 1>}, {transform_indices = @transform_3, window_bounds = array<i64: 1, 2048, 1>}, {transform_indices = @transform_4, window_bounds = array<i64: 1, 512, 1>}, {transform_indices = @transform_5, window_bounds = array<i64: 1, 512, 1>}, {transform_indices = @transform_6, window_bounds = array<i64: 1, 512, 1>}, {transform_indices = @transform_7, window_bounds = array<i64: 1, 512, 640>}, {pipeline_mode = #tpu.pipeline_mode<synchronous>, transform_indices = @transform_8, window_bounds = array<i64: 128, 256>}, {pipeline_mode = #tpu.pipeline_mode<synchronous>, transform_indices = @transform_9, window_bounds = array<i64: 20, 256>}, {pipeline_mode = #tpu.pipeline_mode<synchronous>, transform_indices = @transform_10, window_bounds = array<i64: 20, 256>}, {pipeline_mode = #tpu.pipeline_mode<synchronous>, transform_indices = @transform_11, window_bounds = array<i64: 7, 20>}, {pipeline_mode = #tpu.pipeline_mode<synchronous>, transform_indices = @transform_12, window_bounds = array<i64: 96, 20>}, {pipeline_mode = #tpu.pipeline_mode<synchronous>, transform_indices = @transform_13, window_bounds = array<i64: 1, 256>}, {pipeline_mode = #tpu.pipeline_mode<synchronous>, transform_indices = @transform_14, window_bounds = array<i64: 256, 128>}, {pipeline_mode = #tpu.pipeline_mode<synchronous>, transform_indices = @transform_15, window_bounds = array<i64: 1, 128>}, {pipeline_mode = #tpu.pipeline_mode<synchronous>, transform_indices = @transform_16, window_bounds = array<i64: 128, 128>}, {pipeline_mode = #tpu.pipeline_mode<synchronous>, transform_indices = @transform_17, window_bounds = array<i64: 1, 128>}, {pipeline_mode = #tpu.pipeline_mode<synchronous>, transform_indices = @transform_18, window_bounds = array<i64: 128, 128>}, {pipeline_mode = #tpu.pipeline_mode<synchronous>, transform_indices = @transform_19, window_bounds = array<i64: 1, 128>}, {pipeline_mode = #tpu.pipeline_mode<synchronous>, transform_indices = @transform_20, window_bounds = array<i64: 3200, 3200>}, {pipeline_mode = #tpu.pipeline_mode<synchronous>, transform_indices = @transform_21, window_bounds = array<i64: 1, 3200>}, {pipeline_mode = #tpu.pipeline_mode<synchronous>, transform_indices = @transform_22, window_bounds = array<i64: 3200, 99>}, {pipeline_mode = #tpu.pipeline_mode<synchronous>, transform_indices = @transform_23, window_bounds = array<i64: 1, 99>}, {transform_indices = @transform_24, window_bounds = array<i64: 1, 512, 97>}, {transform_indices = @transform_25, window_bounds = array<i64: 1, 512, 2>}]} {
    %get3A = arith.constant 0 : index
    %get3A_0 = arith.constant 0 : index
    %get3A_1 = vector.load %arg12[%get3A, %get3A_0] : memref<7x20xf32, #tpu.memory_space<vmem>>, vector<7x20xf32>
    %get3A_2 = arith.constant 0 : index
    %get3A_3 = arith.constant 0 : index
    %get3A_4 = vector.load %arg10[%get3A_2, %get3A_3] : memref<20x256xf32, #tpu.memory_space<vmem>>, vector<20x256xf32>
    %dot_general3A = arith.constant dense<0.000000e+00> : vector<7x256xf32>
    %dot_general3A_5 = tpu.matmul %get3A_1, %get3A_4, %dot_general3A {dimension_numbers = #tpu.dot_dimension_numbers<[1], [0], [0], [1], [0, 0, 1, 1], [], []>, transpose_lhs_hint = false} : vector<7x20xf32>, vector<20x256xf32>, vector<7x256xf32> -> vector<7x256xf32>
    %get3A_6 = arith.constant 0 : index
    %get3A_7 = arith.constant 0 : index
    %get3A_8 = vector.load %arg13[%get3A_6, %get3A_7] : memref<96x20xf32, #tpu.memory_space<vmem>>, vector<96x20xf32>
    %get3A_9 = arith.constant 0 : index
    %get3A_10 = arith.constant 0 : index
    %get3A_11 = vector.load %arg11[%get3A_9, %get3A_10] : memref<20x256xf32, #tpu.memory_space<vmem>>, vector<20x256xf32>
    %dot_general3A_12 = arith.constant dense<0.000000e+00> : vector<96x256xf32>
    %dot_general3A_13 = tpu.matmul %get3A_8, %get3A_11, %dot_general3A_12 {dimension_numbers = #tpu.dot_dimension_numbers<[1], [0], [0], [1], [0, 0, 1, 1], [], []>, transpose_lhs_hint = false} : vector<96x20xf32>, vector<20x256xf32>, vector<96x256xf32> -> vector<96x256xf32>
    %get3A_14 = arith.constant 0 : index
    %get3A_15 = arith.constant 0 : index
    %get3A_16 = arith.constant 0 : index
    %get3A_17 = vector.load %arg1[%get3A_14, %get3A_15, %get3A_16] : memref<1x2048x128xf32, #tpu.memory_space<vmem>>, vector<1x2048x128xf32>
    %get3A_18 = vector.shape_cast %get3A_17 : vector<1x2048x128xf32> to vector<2048x128xf32>
    %get3A_19 = arith.constant 0 : index
    %get3A_20 = arith.constant 0 : index
    %get3A_21 = arith.constant 0 : index
    %get3A_22 = vector.load %arg2[%get3A_19, %get3A_20, %get3A_21] : memref<1x2048x1xi32, #tpu.memory_space<vmem>>, vector<1x2048x1xi32>
    %get3A_23 = vector.shape_cast %get3A_22 : vector<1x2048x1xi32> to vector<2048x1xi32>
    %get3A_24 = arith.constant 0 : index
    %get3A_25 = arith.constant 0 : index
    %get3A_26 = arith.constant 0 : index
    %get3A_27 = vector.load %arg3[%get3A_24, %get3A_25, %get3A_26] : memref<1x2048x1xi32, #tpu.memory_space<vmem>>, vector<1x2048x1xi32>
    %get3A_28 = vector.shape_cast %get3A_27 : vector<1x2048x1xi32> to vector<2048x1xi32>
    %get3A_29 = arith.constant 0 : index
    %get3A_30 = arith.constant 0 : index
    %get3A_31 = arith.constant 0 : index
    %get3A_32 = vector.load %arg4[%get3A_29, %get3A_30, %get3A_31] : memref<1x2048x1xf32, #tpu.memory_space<vmem>>, vector<1x2048x1xf32>
    %get3A_33 = vector.shape_cast %get3A_32 : vector<1x2048x1xf32> to vector<2048x1xf32>
    %iota3A = tpu.iota {dimensions = array<i32: 1>} : vector<2048x7xi32>
    %eq3A = vector.broadcast %get3A_23 : vector<2048x1xi32> to vector<2048x7xi32>
    %eq3A_34 = arith.cmpi eq, %eq3A, %iota3A : vector<2048x7xi32>
    %convert_element_type3A = arith.extui %eq3A_34 : vector<2048x7xi1> to vector<2048x7xi32>
    %convert_element_type3A_35 = arith.sitofp %convert_element_type3A : vector<2048x7xi32> to vector<2048x7xf32>
    %iota3A_36 = tpu.iota {dimensions = array<i32: 1>} : vector<2048x96xi32>
    %eq3A_37 = vector.broadcast %get3A_28 : vector<2048x1xi32> to vector<2048x96xi32>
    %eq3A_38 = arith.cmpi eq, %eq3A_37, %iota3A_36 : vector<2048x96xi32>
    %convert_element_type3A_39 = arith.extui %eq3A_38 : vector<2048x96xi1> to vector<2048x96xi32>
    %convert_element_type3A_40 = arith.sitofp %convert_element_type3A_39 : vector<2048x96xi32> to vector<2048x96xf32>
    %get3A_41 = arith.constant 0 : index
    %get3A_42 = arith.constant 0 : index
    %get3A_43 = vector.load %arg9[%get3A_41, %get3A_42] : memref<128x256xf32, #tpu.memory_space<vmem>>, vector<128x256xf32>
    %dot_general3A_44 = arith.constant dense<0.000000e+00> : vector<2048x256xf32>
    %dot_general3A_45 = tpu.matmul %get3A_18, %get3A_43, %dot_general3A_44 {dimension_numbers = #tpu.dot_dimension_numbers<[1], [0], [0], [1], [0, 0, 1, 1], [], []>, transpose_lhs_hint = false} : vector<2048x128xf32>, vector<128x256xf32>, vector<2048x256xf32> -> vector<2048x256xf32>
    %dot_general3A_46 = arith.constant dense<0.000000e+00> : vector<2048x256xf32>
    %dot_general3A_47 = tpu.matmul %convert_element_type3A_35, %dot_general3A_5, %dot_general3A_46 {dimension_numbers = #tpu.dot_dimension_numbers<[1], [0], [0], [1], [0, 0, 1, 1], [], []>, transpose_lhs_hint = false} : vector<2048x7xf32>, vector<7x256xf32>, vector<2048x256xf32> -> vector<2048x256xf32>
    %add3A = arith.addf %dot_general3A_45, %dot_general3A_47 : vector<2048x256xf32>
    %dot_general3A_48 = arith.constant dense<0.000000e+00> : vector<2048x256xf32>
    %dot_general3A_49 = tpu.matmul %convert_element_type3A_40, %dot_general3A_13, %dot_general3A_48 {dimension_numbers = #tpu.dot_dimension_numbers<[1], [0], [0], [1], [0, 0, 1, 1], [], []>, transpose_lhs_hint = false} : vector<2048x96xf32>, vector<96x256xf32>, vector<2048x256xf32> -> vector<2048x256xf32>
    %add3A_50 = arith.addf %add3A, %dot_general3A_49 : vector<2048x256xf32>
    %get3A_51 = arith.constant 0 : index
    %get3A_52 = arith.constant 0 : index
    %get3A_53 = vector.load %arg14[%get3A_51, %get3A_52] : memref<1x256xf32, #tpu.memory_space<vmem>>, vector<1x256xf32>
    %add3A_54 = vector.broadcast %get3A_53 : vector<1x256xf32> to vector<2048x256xf32>
    %add3A_55 = arith.addf %add3A_50, %add3A_54 : vector<2048x256xf32>
    %max3A = arith.constant 0.000000e+00 : f32
    %max3A_56 = vector.broadcast %max3A : f32 to vector<2048x256xf32>
    %max3A_57 = arith.maximumf %add3A_55, %max3A_56 : vector<2048x256xf32>
    %mul3A = vector.broadcast %get3A_33 : vector<2048x1xf32> to vector<2048x256xf32>
    %mul3A_58 = arith.mulf %max3A_57, %mul3A : vector<2048x256xf32>
    %dot_general3A_59 = arith.constant dense<0.000000e+00> : vector<96x256xf32>
    %dot_general3A_60 = tpu.matmul %convert_element_type3A_40, %mul3A_58, %dot_general3A_59 {dimension_numbers = #tpu.dot_dimension_numbers<[0], [0], [1], [1], [0, 1, 1, 1], [], []>, transpose_lhs_hint = false} : vector<2048x96xf32>, vector<2048x256xf32>, vector<96x256xf32> -> vector<96x256xf32>
    %broadcast_in_dim3A = arith.constant 1.000000e+00 : f32
    %broadcast_in_dim3A_61 = vector.broadcast %broadcast_in_dim3A : f32 to vector<2048x1xf32>
    %dot_general3A_62 = arith.constant dense<0.000000e+00> : vector<96x1xf32>
    %dot_general3A_63 = tpu.matmul %convert_element_type3A_40, %broadcast_in_dim3A_61, %dot_general3A_62 {dimension_numbers = #tpu.dot_dimension_numbers<[0], [0], [1], [1], [0, 1, 1, 1], [], []>, transpose_lhs_hint = false} : vector<2048x96xf32>, vector<2048x1xf32>, vector<96x1xf32> -> vector<96x1xf32>
    %max3A_64 = arith.constant 1.000000e+00 : f32
    %max3A_65 = vector.broadcast %max3A_64 : f32 to vector<96x1xf32>
    %max3A_66 = arith.maximumf %dot_general3A_63, %max3A_65 : vector<96x1xf32>
    %div3A = arith.constant 1.000000e+00 : f32
    %div3A_67 = vector.broadcast %div3A : f32 to vector<96x1xf32>
    %div3A_68 = arith.divf %div3A_67, %max3A_66 : vector<96x1xf32>
    %mul3A_69 = vector.broadcast %div3A_68 : vector<96x1xf32> to vector<96x256xf32>
    %mul3A_70 = arith.mulf %dot_general3A_60, %mul3A_69 : vector<96x256xf32>
    %get3A_71 = arith.constant 0 : index
    %get3A_72 = arith.constant 0 : index
    %get3A_73 = vector.load %arg15[%get3A_71, %get3A_72] : memref<256x128xf32, #tpu.memory_space<vmem>>, vector<256x128xf32>
    %dot_general3A_74 = arith.constant dense<0.000000e+00> : vector<96x128xf32>
    %dot_general3A_75 = tpu.matmul %mul3A_70, %get3A_73, %dot_general3A_74 {dimension_numbers = #tpu.dot_dimension_numbers<[1], [0], [0], [1], [0, 0, 1, 1], [], []>, transpose_lhs_hint = false} : vector<96x256xf32>, vector<256x128xf32>, vector<96x128xf32> -> vector<96x128xf32>
    %get3A_76 = arith.constant 0 : index
    %get3A_77 = arith.constant 0 : index
    %get3A_78 = vector.load %arg16[%get3A_76, %get3A_77] : memref<1x128xf32, #tpu.memory_space<vmem>>, vector<1x128xf32>
    %add3A_79 = vector.broadcast %get3A_78 : vector<1x128xf32> to vector<96x128xf32>
    %add3A_80 = arith.addf %dot_general3A_75, %add3A_79 : vector<96x128xf32>
    %max3A_81 = arith.constant 0.000000e+00 : f32
    %max3A_82 = vector.broadcast %max3A_81 : f32 to vector<96x128xf32>
    %max3A_83 = arith.maximumf %add3A_80, %max3A_82 : vector<96x128xf32>
    %get3A_84 = arith.constant 0 : index
    %get3A_85 = arith.constant 0 : index
    %get3A_86 = vector.load %arg17[%get3A_84, %get3A_85] : memref<128x128xf32, #tpu.memory_space<vmem>>, vector<128x128xf32>
    %dot_general3A_87 = arith.constant dense<0.000000e+00> : vector<96x128xf32>
    %dot_general3A_88 = tpu.matmul %max3A_83, %get3A_86, %dot_general3A_87 {dimension_numbers = #tpu.dot_dimension_numbers<[1], [0], [0], [1], [0, 0, 1, 1], [], []>, transpose_lhs_hint = false} : vector<96x128xf32>, vector<128x128xf32>, vector<96x128xf32> -> vector<96x128xf32>
    %get3A_89 = arith.constant 0 : index
    %get3A_90 = arith.constant 0 : index
    %get3A_91 = vector.load %arg18[%get3A_89, %get3A_90] : memref<1x128xf32, #tpu.memory_space<vmem>>, vector<1x128xf32>
    %add3A_92 = vector.broadcast %get3A_91 : vector<1x128xf32> to vector<96x128xf32>
    %add3A_93 = arith.addf %dot_general3A_88, %add3A_92 : vector<96x128xf32>
    %max3A_94 = arith.constant 0.000000e+00 : f32
    %max3A_95 = vector.broadcast %max3A_94 : f32 to vector<96x128xf32>
    %max3A_96 = arith.maximumf %add3A_93, %max3A_95 : vector<96x128xf32>
    %get3A_97 = arith.constant 0 : index
    %get3A_98 = arith.constant 0 : index
    %get3A_99 = vector.load %arg19[%get3A_97, %get3A_98] : memref<128x128xf32, #tpu.memory_space<vmem>>, vector<128x128xf32>
    %dot_general3A_100 = arith.constant dense<0.000000e+00> : vector<96x128xf32>
    %dot_general3A_101 = tpu.matmul %max3A_96, %get3A_99, %dot_general3A_100 {dimension_numbers = #tpu.dot_dimension_numbers<[1], [0], [0], [1], [0, 0, 1, 1], [], []>, transpose_lhs_hint = false} : vector<96x128xf32>, vector<128x128xf32>, vector<96x128xf32> -> vector<96x128xf32>
    %get3A_102 = arith.constant 0 : index
    %get3A_103 = arith.constant 0 : index
    %get3A_104 = vector.load %arg20[%get3A_102, %get3A_103] : memref<1x128xf32, #tpu.memory_space<vmem>>, vector<1x128xf32>
    %add3A_105 = vector.broadcast %get3A_104 : vector<1x128xf32> to vector<96x128xf32>
    %add3A_106 = arith.addf %dot_general3A_101, %add3A_105 : vector<96x128xf32>
    %max3A_107 = arith.constant 0.000000e+00 : f32
    %max3A_108 = vector.broadcast %max3A_107 : f32 to vector<96x128xf32>
    %max3A_109 = arith.maximumf %add3A_106, %max3A_108 : vector<96x128xf32>
    %concatenate3A = tpu.concatenate %mul3A_70, %max3A_83, %max3A_96, %max3A_109 in 1 : vector<96x256xf32>, vector<96x128xf32>, vector<96x128xf32>, vector<96x128xf32> -> vector<96x640xf32>
    %get3A_110 = arith.constant 0 : index
    %get3A_111 = arith.constant 0 : index
    %get3A_112 = arith.constant 0 : index
    %get3A_113 = vector.load %arg5[%get3A_110, %get3A_111, %get3A_112] : memref<1x512x1xi32, #tpu.memory_space<vmem>>, vector<1x512x1xi32>
    %get3A_114 = vector.shape_cast %get3A_113 : vector<1x512x1xi32> to vector<512x1xi32>
    %get3A_115 = arith.constant 0 : index
    %get3A_116 = arith.constant 0 : index
    %get3A_117 = arith.constant 0 : index
    %get3A_118 = vector.load %arg6[%get3A_115, %get3A_116, %get3A_117] : memref<1x512x1xi32, #tpu.memory_space<vmem>>, vector<1x512x1xi32>
    %get3A_119 = vector.shape_cast %get3A_118 : vector<1x512x1xi32> to vector<512x1xi32>
    %eq3A_120 = arith.constant 0 : i32
    %eq3A_121 = vector.broadcast %eq3A_120 : i32 to vector<512x1xi32>
    %eq3A_122 = arith.cmpi eq, %get3A_114, %eq3A_121 : vector<512x1xi32>
    %sub3A = arith.constant 1 : i32
    %sub3A_123 = vector.broadcast %sub3A : i32 to vector<512x1xi32>
    %sub3A_124 = arith.subi %get3A_114, %sub3A_123 : vector<512x1xi32>
    %jit3A = arith.constant 0 : i32
    %broadcast_in_dim3A_125 = vector.broadcast %jit3A : i32 to vector<512x1xi32>
    %select_n3A = arith.select %eq3A_122, %broadcast_in_dim3A_125, %sub3A_124 : vector<512x1xi1>, vector<512x1xi32>
    %eq3A_126 = arith.constant 0 : i32
    %eq3A_127 = vector.broadcast %eq3A_126 : i32 to vector<512x1xi32>
    %eq3A_128 = arith.cmpi eq, %get3A_119, %eq3A_127 : vector<512x1xi32>
    %sub3A_129 = arith.constant 1 : i32
    %sub3A_130 = vector.broadcast %sub3A_129 : i32 to vector<512x1xi32>
    %sub3A_131 = arith.subi %get3A_119, %sub3A_130 : vector<512x1xi32>
    %jit3A_132 = arith.constant 0 : i32
    %broadcast_in_dim3A_133 = vector.broadcast %jit3A_132 : i32 to vector<512x1xi32>
    %select_n3A_134 = arith.select %eq3A_128, %broadcast_in_dim3A_133, %sub3A_131 : vector<512x1xi1>, vector<512x1xi32>
    %iota3A_135 = tpu.iota {dimensions = array<i32: 1>} : vector<512x96xi32>
    %eq3A_136 = vector.broadcast %select_n3A : vector<512x1xi32> to vector<512x96xi32>
    %eq3A_137 = arith.cmpi eq, %eq3A_136, %iota3A_135 : vector<512x96xi32>
    %convert_element_type3A_138 = arith.extui %eq3A_137 : vector<512x96xi1> to vector<512x96xi32>
    %convert_element_type3A_139 = arith.sitofp %convert_element_type3A_138 : vector<512x96xi32> to vector<512x96xf32>
    %iota3A_140 = tpu.iota {dimensions = array<i32: 1>} : vector<512x96xi32>
    %eq3A_141 = vector.broadcast %select_n3A_134 : vector<512x1xi32> to vector<512x96xi32>
    %eq3A_142 = arith.cmpi eq, %eq3A_141, %iota3A_140 : vector<512x96xi32>
    %convert_element_type3A_143 = arith.extui %eq3A_142 : vector<512x96xi1> to vector<512x96xi32>
    %convert_element_type3A_144 = arith.sitofp %convert_element_type3A_143 : vector<512x96xi32> to vector<512x96xf32>
    %dot_general3A_145 = arith.constant dense<0.000000e+00> : vector<512x640xf32>
    %dot_general3A_146 = tpu.matmul %convert_element_type3A_139, %concatenate3A, %dot_general3A_145 {dimension_numbers = #tpu.dot_dimension_numbers<[1], [0], [0], [1], [0, 0, 1, 1], [], []>, transpose_lhs_hint = false} : vector<512x96xf32>, vector<96x640xf32>, vector<512x640xf32> -> vector<512x640xf32>
    %dot_general3A_147 = arith.constant dense<0.000000e+00> : vector<512x640xf32>
    %dot_general3A_148 = tpu.matmul %convert_element_type3A_144, %concatenate3A, %dot_general3A_147 {dimension_numbers = #tpu.dot_dimension_numbers<[1], [0], [0], [1], [0, 0, 1, 1], [], []>, transpose_lhs_hint = false} : vector<512x96xf32>, vector<96x640xf32>, vector<512x640xf32> -> vector<512x640xf32>
    %get3A_149 = arith.constant 0 : index
    %get3A_150 = arith.constant 0 : index
    %get3A_151 = arith.constant 0 : index
    %get3A_152 = vector.load %arg8[%get3A_149, %get3A_150, %get3A_151] : memref<1x512x640xf32, #tpu.memory_space<vmem>>, vector<1x512x640xf32>
    %get3A_153 = vector.shape_cast %get3A_152 : vector<1x512x640xf32> to vector<512x640xf32>
    %get3A_154 = arith.constant 0 : index
    %get3A_155 = arith.constant 0 : index
    %get3A_156 = arith.constant 0 : index
    %get3A_157 = vector.load %arg7[%get3A_154, %get3A_155, %get3A_156] : memref<1x512x1xf32, #tpu.memory_space<vmem>>, vector<1x512x1xf32>
    %get3A_158 = vector.shape_cast %get3A_157 : vector<1x512x1xf32> to vector<512x1xf32>
    %mul3A_159 = vector.broadcast %get3A_158 : vector<512x1xf32> to vector<512x640xf32>
    %mul3A_160 = arith.mulf %get3A_153, %mul3A_159 : vector<512x640xf32>
    %convert_element_type3A_161 = arith.truncf %dot_general3A_146 : vector<512x640xf32> to vector<512x640xbf16>
    %swap3A = arith.constant 0 : index
    %swap3A_162 = arith.constant 0 : index
    %swap3A_163 = vector.load %arg27[%swap3A, %swap3A_162] : memref<512x3200xbf16, #tpu.memory_space<vmem>>, vector<512x640xbf16>
    tpu.vector_store %arg27[%swap3A, %swap3A_162], %convert_element_type3A_161 {strides = array<i32>} : memref<512x3200xbf16, #tpu.memory_space<vmem>>, vector<512x640xbf16>,
    %convert_element_type3A_164 = arith.truncf %dot_general3A_148 : vector<512x640xf32> to vector<512x640xbf16>
    %swap3A_165 = arith.constant 0 : index
    %swap3A_166 = arith.constant 640 : index
    %swap3A_167 = vector.load %arg27[%swap3A_165, %swap3A_166] : memref<512x3200xbf16, #tpu.memory_space<vmem>>, vector<512x640xbf16>
    tpu.vector_store %arg27[%swap3A_165, %swap3A_166], %convert_element_type3A_164 {strides = array<i32>} : memref<512x3200xbf16, #tpu.memory_space<vmem>>, vector<512x640xbf16>,
    %sub3A_168 = arith.subf %dot_general3A_146, %dot_general3A_148 : vector<512x640xf32>
    %abs3A = math.absf %sub3A_168 : vector<512x640xf32>
    %convert_element_type3A_169 = arith.truncf %abs3A : vector<512x640xf32> to vector<512x640xbf16>
    %swap3A_170 = arith.constant 0 : index
    %swap3A_171 = arith.constant 1280 : index
    %swap3A_172 = vector.load %arg27[%swap3A_170, %swap3A_171] : memref<512x3200xbf16, #tpu.memory_space<vmem>>, vector<512x640xbf16>
    tpu.vector_store %arg27[%swap3A_170, %swap3A_171], %convert_element_type3A_169 {strides = array<i32>} : memref<512x3200xbf16, #tpu.memory_space<vmem>>, vector<512x640xbf16>,
    %mul3A_173 = arith.mulf %dot_general3A_146, %dot_general3A_148 : vector<512x640xf32>
    %convert_element_type3A_174 = arith.truncf %mul3A_173 : vector<512x640xf32> to vector<512x640xbf16>
    %swap3A_175 = arith.constant 0 : index
    %swap3A_176 = arith.constant 1920 : index
    %swap3A_177 = vector.load %arg27[%swap3A_175, %swap3A_176] : memref<512x3200xbf16, #tpu.memory_space<vmem>>, vector<512x640xbf16>
    tpu.vector_store %arg27[%swap3A_175, %swap3A_176], %convert_element_type3A_174 {strides = array<i32>} : memref<512x3200xbf16, #tpu.memory_space<vmem>>, vector<512x640xbf16>,
    %convert_element_type3A_178 = arith.truncf %mul3A_160 : vector<512x640xf32> to vector<512x640xbf16>
    %swap3A_179 = arith.constant 0 : index
    %swap3A_180 = arith.constant 2560 : index
    %swap3A_181 = vector.load %arg27[%swap3A_179, %swap3A_180] : memref<512x3200xbf16, #tpu.memory_space<vmem>>, vector<512x640xbf16>
    tpu.vector_store %arg27[%swap3A_179, %swap3A_180], %convert_element_type3A_178 {strides = array<i32>} : memref<512x3200xbf16, #tpu.memory_space<vmem>>, vector<512x640xbf16>,
    %get3A_182 = arith.constant 0 : index
    %get3A_183 = arith.constant 0 : index
    %get3A_184 = vector.load %arg27[%get3A_182, %get3A_183] : memref<512x3200xbf16, #tpu.memory_space<vmem>>, vector<512x3200xbf16>
    %get3A_185 = arith.constant 0 : index
    %get3A_186 = arith.constant 0 : index
    %get3A_187 = vector.load %arg21[%get3A_185, %get3A_186] : memref<3200x3200xbf16, #tpu.memory_space<vmem>>, vector<3200x3200xbf16>
    %dot_general3A_188 = arith.constant dense<0.000000e+00> : vector<512x3200xf32>
    %dot_general3A_189 = tpu.matmul %get3A_184, %get3A_187, %dot_general3A_188 {dimension_numbers = #tpu.dot_dimension_numbers<[1], [0], [0], [1], [0, 0, 1, 1], [], []>, transpose_lhs_hint = false} : vector<512x3200xbf16>, vector<3200x3200xbf16>, vector<512x3200xf32> -> vector<512x3200xf32>
    %get3A_190 = arith.constant 0 : index
    %get3A_191 = arith.constant 0 : index
    %get3A_192 = vector.load %arg22[%get3A_190, %get3A_191] : memref<1x3200xf32, #tpu.memory_space<vmem>>, vector<1x3200xf32>
    %add3A_193 = vector.broadcast %get3A_192 : vector<1x3200xf32> to vector<512x3200xf32>
    %add3A_194 = arith.addf %dot_general3A_189, %add3A_193 : vector<512x3200xf32>
    %max3A_195 = arith.constant 0.000000e+00 : f32
    %max3A_196 = vector.broadcast %max3A_195 : f32 to vector<512x3200xf32>
    %max3A_197 = arith.maximumf %add3A_194, %max3A_196 : vector<512x3200xf32>
    %convert_element_type3A_198 = arith.truncf %max3A_197 : vector<512x3200xf32> to vector<512x3200xbf16>
    %get3A_199 = arith.constant 0 : index
    %get3A_200 = arith.constant 0 : index
    %get3A_201 = vector.load %arg23[%get3A_199, %get3A_200] : memref<3200x99xbf16, #tpu.memory_space<vmem>>, vector<3200x99xbf16>
    %dot_general3A_202 = arith.constant dense<0.000000e+00> : vector<512x99xf32>
    %dot_general3A_203 = tpu.matmul %convert_element_type3A_198, %get3A_201, %dot_general3A_202 {dimension_numbers = #tpu.dot_dimension_numbers<[1], [0], [0], [1], [0, 0, 1, 1], [], []>, transpose_lhs_hint = false} : vector<512x3200xbf16>, vector<3200x99xbf16>, vector<512x99xf32> -> vector<512x99xf32>
    %get3A_204 = arith.constant 0 : index
    %get3A_205 = arith.constant 0 : index
    %get3A_206 = vector.load %arg24[%get3A_204, %get3A_205] : memref<1x99xf32, #tpu.memory_space<vmem>>, vector<1x99xf32>
    %add3A_207 = vector.broadcast %get3A_206 : vector<1x99xf32> to vector<512x99xf32>
    %add3A_208 = arith.addf %dot_general3A_203, %add3A_207 : vector<512x99xf32>
    %slice3A = vector.extract_strided_slice %add3A_208 {offsets = [0, 0], sizes = [512, 97], strides = [1, 1]} : vector<512x99xf32> to vector<512x97xf32>
    %swap3A_209 = arith.constant 0 : index
    %swap3A_210 = arith.constant 0 : index
    %swap3A_211 = arith.constant 0 : index
    %swap3A_212 = vector.load %arg25[%swap3A_209, %swap3A_210, %swap3A_211] : memref<1x512x97xf32, #tpu.memory_space<vmem>>, vector<1x512x97xf32>
    %swap3A_213 = vector.shape_cast %swap3A_212 : vector<1x512x97xf32> to vector<512x97xf32>
    %swap3A_214 = vector.shape_cast %slice3A : vector<512x97xf32> to vector<1x512x97xf32>
    tpu.vector_store %arg25[%swap3A_209, %swap3A_210, %swap3A_211], %swap3A_214 {strides = array<i32>} : memref<1x512x97xf32, #tpu.memory_space<vmem>>, vector<1x512x97xf32>,
    %slice3A_215 = vector.extract_strided_slice %add3A_208 {offsets = [0, 97], sizes = [512, 2], strides = [1, 1]} : vector<512x99xf32> to vector<512x2xf32>
    %swap3A_216 = arith.constant 0 : index
    %swap3A_217 = arith.constant 0 : index
    %swap3A_218 = arith.constant 0 : index
    %swap3A_219 = vector.load %arg26[%swap3A_216, %swap3A_217, %swap3A_218] : memref<1x512x2xf32, #tpu.memory_space<vmem>>, vector<1x512x2xf32>
    %swap3A_220 = vector.shape_cast %swap3A_219 : vector<1x512x2xf32> to vector<512x2xf32>
    %swap3A_221 = vector.shape_cast %slice3A_215 : vector<512x2xf32> to vector<1x512x2xf32>
    tpu.vector_store %arg26[%swap3A_216, %swap3A_217, %swap3A_218], %swap3A_221 {strides = array<i32>} : memref<1x512x2xf32, #tpu.memory_space<vmem>>, vector<1x512x2xf32>,
    return
  }
  func.func @transform_0(%arg0: i32) -> (i32, i32, i32) {
    %c0_i32 = arith.constant 0 : i32
    %c0_i32_0 = arith.constant 0 : i32
    %c0_i32_1 = arith.constant 0 : i32
    return %arg0, %c0_i32, %c0_i32_0 : i32, i32, i32
  }
  func.func @transform_1(%arg0: i32) -> (i32, i32, i32) {
    %c0_i32 = arith.constant 0 : i32
    %c0_i32_0 = arith.constant 0 : i32
    %c0_i32_1 = arith.constant 0 : i32
    return %arg0, %c0_i32, %c0_i32_0 : i32, i32, i32
  }
  func.func @transform_2(%arg0: i32) -> (i32, i32, i32) {
    %c0_i32 = arith.constant 0 : i32
    %c0_i32_0 = arith.constant 0 : i32
    %c0_i32_1 = arith.constant 0 : i32
    return %arg0, %c0_i32, %c0_i32_0 : i32, i32, i32
  }
  func.func @transform_3(%arg0: i32) -> (i32, i32, i32) {
    %c0_i32 = arith.constant 0 : i32
    %c0_i32_0 = arith.constant 0 : i32
    %c0_i32_1 = arith.constant 0 : i32
    return %arg0, %c0_i32, %c0_i32_0 : i32, i32, i32
  }
  func.func @transform_4(%arg0: i32) -> (i32, i32, i32) {
    %c0_i32 = arith.constant 0 : i32
    %c0_i32_0 = arith.constant 0 : i32
    %c0_i32_1 = arith.constant 0 : i32
    return %arg0, %c0_i32, %c0_i32_0 : i32, i32, i32
  }
  func.func @transform_5(%arg0: i32) -> (i32, i32, i32) {
    %c0_i32 = arith.constant 0 : i32
    %c0_i32_0 = arith.constant 0 : i32
    %c0_i32_1 = arith.constant 0 : i32
    return %arg0, %c0_i32, %c0_i32_0 : i32, i32, i32
  }
  func.func @transform_6(%arg0: i32) -> (i32, i32, i32) {
    %c0_i32 = arith.constant 0 : i32
    %c0_i32_0 = arith.constant 0 : i32
    %c0_i32_1 = arith.constant 0 : i32
    return %arg0, %c0_i32, %c0_i32_0 : i32, i32, i32
  }
  func.func @transform_7(%arg0: i32) -> (i32, i32, i32) {
    %c0_i32 = arith.constant 0 : i32
    %c0_i32_0 = arith.constant 0 : i32
    %c0_i32_1 = arith.constant 0 : i32
    return %arg0, %c0_i32, %c0_i32_0 : i32, i32, i32
  }
  func.func @transform_8(%arg0: i32) -> (i32, i32) {
    %c0_i32 = arith.constant 0 : i32
    %c0_i32_0 = arith.constant 0 : i32
    %c0_i32_1 = arith.constant 0 : i32
    return %c0_i32, %c0_i32_0 : i32, i32
  }
  func.func @transform_9(%arg0: i32) -> (i32, i32) {
    %c0_i32 = arith.constant 0 : i32
    %c0_i32_0 = arith.constant 0 : i32
    %c0_i32_1 = arith.constant 0 : i32
    return %c0_i32, %c0_i32_0 : i32, i32
  }
  func.func @transform_10(%arg0: i32) -> (i32, i32) {
    %c0_i32 = arith.constant 0 : i32
    %c0_i32_0 = arith.constant 0 : i32
    %c0_i32_1 = arith.constant 0 : i32
    return %c0_i32, %c0_i32_0 : i32, i32
  }
  func.func @transform_11(%arg0: i32) -> (i32, i32) {
    %c0_i32 = arith.constant 0 : i32
    %c0_i32_0 = arith.constant 0 : i32
    %c0_i32_1 = arith.constant 0 : i32
    return %c0_i32, %c0_i32_0 : i32, i32
  }
  func.func @transform_12(%arg0: i32) -> (i32, i32) {
    %c0_i32 = arith.constant 0 : i32
    %c0_i32_0 = arith.constant 0 : i32
    %c0_i32_1 = arith.constant 0 : i32
    return %c0_i32, %c0_i32_0 : i32, i32
  }
  func.func @transform_13(%arg0: i32) -> (i32, i32) {
    %c0_i32 = arith.constant 0 : i32
    %c0_i32_0 = arith.constant 0 : i32
    %c0_i32_1 = arith.constant 0 : i32
    return %c0_i32, %c0_i32_0 : i32, i32
  }
  func.func @transform_14(%arg0: i32) -> (i32, i32) {
    %c0_i32 = arith.constant 0 : i32
    %c0_i32_0 = arith.constant 0 : i32
    %c0_i32_1 = arith.constant 0 : i32
    return %c0_i32, %c0_i32_0 : i32, i32
  }
  func.func @transform_15(%arg0: i32) -> (i32, i32) {
    %c0_i32 = arith.constant 0 : i32
    %c0_i32_0 = arith.constant 0 : i32
    %c0_i32_1 = arith.constant 0 : i32
    return %c0_i32, %c0_i32_0 : i32, i32
  }
  func.func @transform_16(%arg0: i32) -> (i32, i32) {
    %c0_i32 = arith.constant 0 : i32
    %c0_i32_0 = arith.constant 0 : i32
    %c0_i32_1 = arith.constant 0 : i32
    return %c0_i32, %c0_i32_0 : i32, i32
  }
  func.func @transform_17(%arg0: i32) -> (i32, i32) {
    %c0_i32 = arith.constant 0 : i32
    %c0_i32_0 = arith.constant 0 : i32
    %c0_i32_1 = arith.constant 0 : i32
    return %c0_i32, %c0_i32_0 : i32, i32
  }
  func.func @transform_18(%arg0: i32) -> (i32, i32) {
    %c0_i32 = arith.constant 0 : i32
    %c0_i32_0 = arith.constant 0 : i32
    %c0_i32_1 = arith.constant 0 : i32
    return %c0_i32, %c0_i32_0 : i32, i32
  }
  func.func @transform_19(%arg0: i32) -> (i32, i32) {
    %c0_i32 = arith.constant 0 : i32
    %c0_i32_0 = arith.constant 0 : i32
    %c0_i32_1 = arith.constant 0 : i32
    return %c0_i32, %c0_i32_0 : i32, i32
  }
  func.func @transform_20(%arg0: i32) -> (i32, i32) {
    %c0_i32 = arith.constant 0 : i32
    %c0_i32_0 = arith.constant 0 : i32
    %c0_i32_1 = arith.constant 0 : i32
    return %c0_i32, %c0_i32_0 : i32, i32
  }
  func.func @transform_21(%arg0: i32) -> (i32, i32) {
    %c0_i32 = arith.constant 0 : i32
    %c0_i32_0 = arith.constant 0 : i32
    %c0_i32_1 = arith.constant 0 : i32
    return %c0_i32, %c0_i32_0 : i32, i32
  }
  func.func @transform_22(%arg0: i32) -> (i32, i32) {
    %c0_i32 = arith.constant 0 : i32
    %c0_i32_0 = arith.constant 0 : i32
    %c0_i32_1 = arith.constant 0 : i32
    return %c0_i32, %c0_i32_0 : i32, i32
  }
  func.func @transform_23(%arg0: i32) -> (i32, i32) {
    %c0_i32 = arith.constant 0 : i32
    %c0_i32_0 = arith.constant 0 : i32
    %c0_i32_1 = arith.constant 0 : i32
    return %c0_i32, %c0_i32_0 : i32, i32
  }
  func.func @transform_24(%arg0: i32) -> (i32, i32, i32) {
    %c0_i32 = arith.constant 0 : i32
    %c0_i32_0 = arith.constant 0 : i32
    %c0_i32_1 = arith.constant 0 : i32
    return %arg0, %c0_i32, %c0_i32_0 : i32, i32, i32
  }
  func.func @transform_25(%arg0: i32) -> (i32, i32, i32) {
    %c0_i32 = arith.constant 0 : i32
    %c0_i32_0 = arith.constant 0 : i32
    %c0_i32_1 = arith.constant 0 : i32
    return %arg0, %c0_i32, %c0_i32_0 : i32, i32, i32
  }
}

</mosaic_0001>

<sc_bundles>
// kernel: kernel.5.cloned.1.call-start
scs
__scs_entry_jumppad:
0x0: {  	(pc) =	sbr.rel $0x88, $3  }
0x1: {  	(tag) =	ssettag $0x0;
	lr =	simm.s32 $0x1  }
0x2: {  	[smem:$0x3F89] =	sst lr;
	_ =	strace $0xD0000000  }
0x3: {  	_ = 	snop  }
0x4: {  	_ = 	snop  }
0x5: {  	_ = 	snop  }
0x6: {  	_ = 	snop  }
0x7: {  	_ = 	snop  }
__scs_overlays_trampoline_lowered:
0x8: {  	[smem:$0x3F98] =	sst s0  }
0x9: {  	[smem:$0x3F99] =	sst s1  }
0xa: {  	[smem:$0x3F9A] =	sst s2  }
0xb: {  	[smem:$0x3F9B] =	sst s3  }
0xc: {  	[smem:$0x3F9C] =	sst s4  }
0xd: {  	[smem:$0x3F9D] =	sst s5  }
0xe: {  	[smem:$0x3F9E] =	sst s6  }
0xf: {  	[smem:$0x3F9F] =	sst s7  }
0x10: {  	[smem:$0x3FA0] =	sst s8  }
0x11: {  	[smem:$0x3FA1] =	sst s9;
	s0 =	simm.s32 @!p0 $0x0  }
0x12: {  	s1 =	sld [smem:$0x3F87];
	s0 =	simm.s32 @p0 $0x1  }
0x13: {  	[smem:$0x3FA2] =	sst s0;
	s0 =	simm.s32 @!p1 $0x0  }
0x14: {  	s2 =	sld [smem:$0x3F86];
	s0 =	simm.s32 @p1 $0x1  }
0x15: {  	[smem:$0x3FA3] =	sst s0;
	s0 =	simm.s32 @!p2 $0x0  }
0x16: {  	s3 =	sld [smem:$0x3FDB];
	s0 =	simm.s32 @p2 $0x1  }
0x17: {  	s4 =	simm.s32 $0x1BF5;
	[smem:$0x3FA5] =	sst s0  }
0x18: {  	s0 =	sld [smem:$0x3F88];
	_ =	swait.ge [sflag:s4], $0x0  }
0x19: {  	s7 =	sld [smem:$0x3F89]  }
0x1a: {  	s8 =	sadd.s32 $0xFFFFE003, lr  }
0x1b: {  	s9 =	sadd.s32 $0xFFFFFEF7, lr;
	s5 =	simm.s32 $0xFFFFFFFF;
	p2 =	slt.u32 s8, $0xFFFFF086  }
0x1c: {  	p1 =	slt.u32 s9, $0xF7A;
	s5 =	simm.s32 @!p2 $0x0  }
0x1d: {  	s5 =	simm.s32 @p1 $0x1;
	p0 =	seq.s32 s7, s2  }
0x1e: {  	s7 =	smul.u32 @!p0 $0xF7A, s2;
	p2 =	seq.s32 @!p0 s5, $0x0  }
0x1f: {  	s9 =	smul.u32 $0xF7A, s1;
	s8 =	simm.s32 @!p0 $0x1BF5;
	p2 =	por !p2, p0  }
0x20: {  	[sflag:s8] =	ssyncset.s32 @!p0 $0xFFFFF086;
	s6 =	sadd.s32 @!p0 s3, s7;
	s7 =	simm.s32 @!p0 $0x108  }
0x21: {  	s3 =	sadd.s32 s3, s9;
	s6 =	sadd.s32 @!p0 $0x88, s6;
	s7 =	simm.s32 @p2 $0x1082  }
0x22: {  	[simem:s7], [sflag:s8] =	dma.local @!p0 [hbm:s6], $0xF7A  }
0x23: {  	s9 =	sor.u32 $0xD0000000, s2;
	s6 =	simm.s32 $0x108;
	_ =	swait.ge @!p0 [sflag:s8], $0x0  }
0x24: {  	s3 =	sadd.s32 $0x88, s3;
	s6 =	simm.s32 @!p1 $0x1082;
	[sflag:s4] =	ssyncset.s32 $0xFFFFF086  }
0x25: {  	[simem:s6], [sflag:s4] =	dma.local [hbm:s3], $0xF7A  }
0x26: {  	[smem:$0x3F89] =	sst s1;
	(tag) =	ssettag s2;
	_ =	strace s9  }
0x27: {  	s1 =	sld [smem:$0x3F99]  }
0x28: {  	s2 =	sld [smem:$0x3F9A]  }
0x29: {  	s4 =	sld [smem:$0x3F9C]  }
0x2a: {  	p0 =	seq.s32 s5, $0x0;
	s5 =	sld [smem:$0x3F9D]  }
0x2b: {  	s6 =	sld [smem:$0x3F9E]  }
0x2c: {  	s7 =	sld [smem:$0x3F9F]  }
0x2d: {  	s3 =	simm.s32 $0x108;
	s8 =	sld [smem:$0x3FA0]  }
0x2e: {  	s3 =	simm.s32 @!p0 $0x1082;
	s9 =	sld [smem:$0x3FA1]  }
0x2f: {  	lr =	sadd.s32 s0, s3;
	s0 =	sld [smem:$0x3F98]  }
0x30: {  	s3 =	sld [smem:$0x3F9B]  }
0x31: {  	[smem:$0x3FA4] =	sst s10  }
0x32: {  	s10 =	sld [smem:$0x3FA2];
	_ =	sdelay $0x3  }
0x33: {  	p0 =	seq.s32 s10, $0x1;
	s10 =	sld [smem:$0x3FA4];
	_ =	sdelay $0x3  }
0x34: {  	[smem:$0x3FA4] =	sst s10  }
0x35: {  	s10 =	sld [smem:$0x3FA3];
	_ =	sdelay $0x3  }
0x36: {  	p1 =	seq.s32 s10, $0x1;
	s10 =	sld [smem:$0x3FA4];
	_ =	sdelay $0x3  }
0x37: {  	[smem:$0x3FA4] =	sst s10  }
0x38: {  	s10 =	sld [smem:$0x3FA5]  }
0x39: {  	_ = 	snop;
	(pc) =	sbr.ind lr, $3  }
0x3a: {  	_ = 	snop  }
0x3b: {  	_ = 	snop  }
0x3c: {  	p2 =	seq.s32 s10, $0x1;
	s10 =	sld [smem:$0x3FA4]  }
0x3d: {  	_ =	shalt  }
0x3e: {  	_ =	shalt  }
0x3f: {  	_ =	shalt  }
0x40: {  	_ =	shalt  }
0x41: {  	_ =	shalt  }
0x42: {  	_ =	shalt  }
0x43: {  	_ =	shalt  }
0x44: {  	_ =	shalt  }
0x45: {  	_ =	shalt  }
0x46: {  	_ =	shalt  }
0x47: {  	_ =	shalt  }
0x48: {  	_ =	shalt  }
0x49: {  	_ =	shalt  }
0x4a: {  	_ =	shalt  }
0x4b: {  	_ =	shalt  }
0x4c: {  	_ =	shalt  }
0x4d: {  	_ =	shalt  }
0x4e: {  	_ =	shalt  }
0x4f: {  	_ =	shalt  }
0x50: {  	_ =	shalt  }
0x51: {  	_ =	shalt  }
0x52: {  	_ =	shalt  }
0x53: {  	_ =	shalt  }
0x54: {  	_ =	shalt  }
0x55: {  	_ =	shalt  }
0x56: {  	_ =	shalt  }
0x57: {  	_ =	shalt  }
0x58: {  	_ =	shalt  }
0x59: {  	_ =	shalt  }
0x5a: {  	_ =	shalt  }
0x5b: {  	_ =	shalt  }
0x5c: {  	_ =	shalt  }
0x5d: {  	_ =	shalt  }
0x5e: {  	_ =	shalt  }
0x5f: {  	_ =	shalt  }
0x60: {  	_ =	shalt  }
0x61: {  	_ =	shalt  }
0x62: {  	_ =	shalt  }
0x63: {  	_ =	shalt  }
0x64: {  	_ =	shalt  }
0x65: {  	_ =	shalt  }
0x66: {  	_ =	shalt  }
0x67: {  	_ =	shalt  }
0x68: {  	_ =	shalt  }
0x69: {  	_ =	shalt  }
0x6a: {  	_ =	shalt  }
0x6b: {  	_ =	shalt  }
0x6c: {  	_ =	shalt  }
0x6d: {  	_ =	shalt  }
0x6e: {  	_ =	shalt  }
0x6f: {  	_ =	shalt  }
0x70: {  	_ =	shalt  }
0x71: {  	_ =	shalt  }
0x72: {  	_ =	shalt  }
0x73: {  	_ =	shalt  }
0x74: {  	_ =	shalt  }
0x75: {  	_ =	shalt  }
0x76: {  	_ =	shalt  }
0x77: {  	_ =	shalt  }
0x78: {  	_ =	shalt  }
0x79: {  	_ =	shalt  }
0x7a: {  	_ =	shalt  }
0x7b: {  	_ =	shalt  }
0x7c: {  	_ =	shalt  }
0x7d: {  	_ =	shalt  }
0x7e: {  	_ =	shalt  }
0x7f: {  	_ =	shalt  }
0x80: {  	_ =	shalt  }
0x81: {  	_ =	shalt  }
0x82: {  	_ =	shalt  }
0x83: {  	_ =	shalt  }
0x84: {  	_ =	shalt  }
0x85: {  	_ =	shalt  }
0x86: {  	_ =	shalt  }
0x87: {  	_ =	shalt  }
.Lfunc_end0:
.L_simem_size_0:
called_computation_lowered:
.L_overlay_start_0:
0x88: {  	s2 =	sld [smem:$0x3FD9]  }
0x89: {  	s3 =	sld [smem:$0x3FFE];
	_ =	sdelay $0x1  }
0x8a: {  	s1 =	srdreg.scid  }
0x8b: {  	s0 =	sand.u32 $0x1, s1  }
0x8c: {  	s16 =	sshll.u32 s0, $0xA;
	s2 =	sadd.s32 s3, s2  }
0x8d: {  	s2 =	sadd.s32 s2, s16  }
0x8e: {  	[smem:$0x3FB0] =	sst s2  }
0x8f: {  	_ = 	snop  }
0x90: {  	(tm) =	ssettm $0x1  }
0x91: {  	s17 =	sld [smem:$0x3FFB];
	_ =	sdelay $0x3  }
0x92: {  	_ =	strace s17  }
0x93: {  	s2 =	sld [smem:$0x3FFC];
	_ =	sdelay $0x3  }
0x94: {  	_ =	strace s2  }
0x95: {  	s2 =	sld [smem:$0x3FFD];
	_ =	sdelay $0x3  }
0x96: {  	_ =	strace s2  }
0x97: {  	_ =	strace $0x8FFFFFFF  }
0x98: {  	s18 =	sld [smem:$0x3FDB];
	_ =	sdelay $0x1  }
0x99: {  	s19 =	simm.s32 $_scs_section_size  }
0x9a: {  	s4 =	simm.s32 $_size__tile_overlayer_lowered;
	s5 =	simm.s32 $_tile_overlayer_lowered  }
0x9b: {  	s22 =	simm.s32 $0x1BFF;
	s21 =	sshll.u32 s5, $0x1;
	s2 =	sadd.s32 s19, s18  }
0x9c: {  	s6 =	simm.s32 $0x0;
	s20 =	sshll.u32 s4, $0x1;
	s4 =	sadd.s32 s21, s2  }
0x9d: {  	[timem:s6], [sflag:s22] =	dma.local [hbm:s4], s20  }
0x9e: {  	_ =	swait.ge [sflag:s22], s20  }
0x9f: {  	s3 =	ssub.s32 $0x0, s20;
	[sflag:s22] =	ssyncset.done $0x0  }
0xa0: {  	[sflag:s22] =	ssyncadd.s32 s3;
	_ =	sdelay $0x1  }
0xa1: {  	s23 =	simm.s32 $0x1B8B  }
0xa2: {  	_ =	swait.ge [sflag:s23], $0x1  }
0xa3: {  	[sflag:s23] =	ssyncset.done $0x0  }
0xa4: {  	s25 =	simm.s32 $0x1B8E;
	s24 =	sld [smem:$0x3FFE];
	[sflag:s23] =	ssyncadd.s32 $0xFFFFFFFF  }
0xa5: {  	s26 =	simm.s32 $execute0_lowered;
	[smem:$0x3FD2] =	sst s25  }
0xa6: {  	s4 =	sshll.u32 s26, $0x1;
	_ =	strace $0x80000046;
	[dreg:$0x1] =	wrdreg $0xFFFFFFFF  }
0xa7: {  	s28 =	simm.s32 $_size_execute0_lowered;
	s2 =	sadd.s32 s2, s4;
	[dreg:$0x0] =	wrdreg $0x0  }
0xa8: {  	s4 =	sshll.u32 s28, $0x1;
	[dreg:$0x2] =	wrdreg s2  }
0xa9: {  	[dreg:$0x3] =	wrdreg s4  }
0xaa: {  	[dreg:$0x4] =	wrdreg $0xC0  }
0xab: {  	_ =	task [dreg:s6], $0x5FFFF  }
0xac: {  	[dreg:$0x1] =	wrdreg $0xFFFFFFFF  }
0xad: {  	[dreg:$0x0] =	wrdreg $0x60  }
0xae: {  	[dreg:$0x2] =	wrdreg s24  }
0xaf: {  	[dreg:$0x3] =	wrdreg $0x9  }
0xb0: {  	_ =	task.clear_ibuf [dreg:s6], $0x4FFFF;
	_ =	strace $0x90000046  }
0xb1: {  	s29 =	simm.s32 $0x9;
	_ =	strace $0x80000048  }
0xb2: {  	_ =	swait.ge [sflag:s29], $0x1  }
0xb3: {  	[sflag:s29] =	ssyncadd.s32 $0xFFFFFFFF  }
0xb4: {  	_ =	strace $0x90000048  }
0xb5: {  	_ =	sfence  }
0xb6: {  	s30 =	sld [smem:$0x0];
	_ =	sdelay $0x2  }
0xb7: {  	s31 =	sshll.u32 s1, $0xD;
	s1 =	sshrl.u32 s1, $0x2  }
0xb8: {  	s3 =	sand.u32 $0x4000, s31;
	s1 =	sadd.s32 s1, s30  }
0xb9: {  	s0 =	sor.u32 s3, s0;
	s1 =	sshll.u32 s1, $0x11  }
0xba: {  	s0 =	sor.u32 s1, s0  }
0xbb: {  	s0 =	sadd.s32 $0x8F2B, s0  }
0xbc: {  	[sflag:s0] =	ssyncadd.remote.s32 $0x1  }
0xbd: {  	_ =	sfence.sel $0xFFFF  }
0xbe: {  	[dreg:$0x0] =	wrdreg $0xFFFFFFFF;
	(pc) =	sbr.abs _section_cstart, $3  }
0xbf: {  	[dreg:$0x1] =	wrdreg $0xFFFFFFFF  }
0xc0: {  	_ =	task.clear_ibuf [dreg:s6], $0x2FFFF;
	_ =	strace $0x9FFFFFFF  }
0xc1: {  	(tm) =	ssettm $0x7FFFFFFF  }
tec
execute0_lowered:
.L_overlay_start_1:
0x0: {  	(tag) =	ssettag $0x1  }
0x1: {  	s1 =	srdreg.scid  }
0x2: {  	s0 =	stileid.u32;
	s10 =	sand.u32 $0x1, s1  }
0x3: {  	s8 =	rddreg [dreg:$0x0];
	s3 =	sshll.u32 s0, $0xB;
	s4 =	sshll.u32 s10, $0xA  }
0x4: {  	s2 =	simm.s32 $0x0;
	s1 =	rddreg [dreg:$0x1];
	s9 =	sor.u32 s4, s3  }
0x5: {  	[smem:$0x7FF] =	sst s2;
	s11 =	sadd.s32 $0x189400, s8;
	s3 =	sshrl.u32 s9, $0x3  }
0x6: {  	_ =	strace $0x80000047;
	s4 =	sadd.s32 s11, s3;
	s3 =	simm.s32 $0x2  }
0x7: {  	[tilespmem:s2], [sflag:$0x2] =	stream.linear.gather [hbm4b:s4+s2], $0x200, $0x38;
	[tilespmem:$0x10200] =	vst v63  }
0x8: {  	_ =	swait.ge [sflag:s3], $0x200  }
0x9: {  	s6 =	simm.s32 $0x200;
	[sflag:s3] =	ssyncset.done $0x0  }
0xa: {  	s7 =	simm.s32 $0x1;
	s5 =	sadd.s32 $0x18A400, s8;
	[sflag:s3] =	ssyncadd.s32 $0xFFFFFE00  }
0xb: {  	[tilespmem:s6], [sflag:$0x1] =	stream.indirect.gather [hbm4b:s5+s6], $0x80, s2, s6, $0xb8;
	[tilespmem:$0x10200] =	vst v63  }
0xc: {  	_ =	swait.ge [sflag:s7], $0x10000  }
0xd: {  	s12 =	sadd.s32 $0x9EE00, s8;
	s29 =	sshll.u32 s9, $0x4;
	[sflag:s7] =	ssyncset.done $0x0  }
0xe: {  	s8 =	sadd.s32 s12, s29;
	[sflag:s7] =	ssyncadd.s32 $0xFFFF0000  }
0xf: {  	[hbm4b:s8+s2] =	stream.linear.scatter [tilespmem:s6], [sflag:$0x2], $0x10000, $0x38;
	[tilespmem:$0x10200] =	vst v63  }
0x10: {  	s13 =	sor.u32 $0x200, s9;
	_ =	swait.ge [sflag:s3], $0x10000  }
0x11: {  	s9 =	sshrl.u32 s13, $0x3;
	[sflag:s3] =	ssyncset.done $0x0  }
0x12: {  	s10 =	ssub.s32 $0x2, s10;
	s9 =	sadd.s32 s11, s9;
	[sflag:s3] =	ssyncadd.s32 $0xFFFF0000  }
0x13: {  	[tilespmem:s2], [sflag:$0x2] =	stream.linear.gather [hbm4b:s9+s2], $0x200, $0x38;
	[tilespmem:$0x10200] =	vst v63  }
0x14: {  	s30 =	sshrl.u32 s10, $0x1;
	_ =	swait.ge [sflag:s3], $0x200  }
0x15: {  	s11 =	ssub.s32 s10, s30;
	[sflag:s3] =	ssyncset.done $0x0  }
0x16: {  	s11 =	smax.u32 s11, $0x1;
	[sflag:s3] =	ssyncadd.s32 $0xFFFFFE00  }
0x17: {  	[tilespmem:s6], [sflag:$0x1] =	stream.indirect.gather [hbm4b:s5+s6], $0x80, s2, s6, $0xb8;
	[tilespmem:$0x10200] =	vst v63  }
0x18: {  	p0 =	sne.s32 s11, $0x1;
	_ =	swait.ge [sflag:s7], $0x10000  }
.Ltmp0:
0x19: {  	s31 =	sshll.u32 s13, $0x4;
	[sflag:s7] =	ssyncset.done $0x0;
	(pc) =	sbr.rel @!p0 .LBB2_2-.Ltmp0, $4  }
0x1a: {  	s10 =	sadd.s32 s12, s31;
	[sflag:s7] =	ssyncadd.s32 $0xFFFF0000  }
0x1b: {  	[hbm4b:s10+s2] =	stream.linear.scatter [tilespmem:s6], [sflag:$0x2], $0x10000, $0x38;
	[tilespmem:$0x10200] =	vst v63  }
0x1c: {  	_ =	swait.ge [sflag:s3], $0x10000  }
0x1d: {  	s11 =	sadd.s32 $0xFFFFFFFF, s11;
	[sflag:s3] =	ssyncset.done $0x0  }
.LBB2_1:
0x1e: {  	p0 =	sne.s32 s11, $0x1;
	s11 =	sadd.s32 $0xFFFFFFFF, s11;
	[sflag:s3] =	ssyncadd.s32 $0xFFFF0000  }
0x1f: {  	[tilespmem:s2], [sflag:$0x2] =	stream.linear.gather [hbm4b:s4+s2], $0x200, $0x38;
	[tilespmem:$0x10200] =	vst v63  }
0x20: {  	_ =	swait.ge [sflag:s3], $0x200  }
0x21: {  	[sflag:s3] =	ssyncset.done $0x0  }
0x22: {  	[sflag:s3] =	ssyncadd.s32 $0xFFFFFE00  }
0x23: {  	[tilespmem:s6], [sflag:$0x1] =	stream.indirect.gather [hbm4b:s5+s6], $0x80, s2, s6, $0xb8;
	[tilespmem:$0x10200] =	vst v63  }
0x24: {  	_ =	swait.ge [sflag:s7], $0x10000  }
0x25: {  	[sflag:s7] =	ssyncset.done $0x0  }
0x26: {  	[sflag:s7] =	ssyncadd.s32 $0xFFFF0000  }
0x27: {  	[hbm4b:s8+s2] =	stream.linear.scatter [tilespmem:s6], [sflag:$0x2], $0x10000, $0x38;
	[tilespmem:$0x10200] =	vst v63  }
0x28: {  	_ =	swait.ge [sflag:s3], $0x10000  }
0x29: {  	[sflag:s3] =	ssyncset.done $0x0  }
0x2a: {  	[sflag:s3] =	ssyncadd.s32 $0xFFFF0000  }
0x2b: {  	[tilespmem:s2], [sflag:$0x2] =	stream.linear.gather [hbm4b:s9+s2], $0x200, $0x38;
	[tilespmem:$0x10200] =	vst v63  }
0x2c: {  	_ =	swait.ge [sflag:s3], $0x200  }
0x2d: {  	[sflag:s3] =	ssyncset.done $0x0  }
0x2e: {  	[sflag:s3] =	ssyncadd.s32 $0xFFFFFE00  }
0x2f: {  	[tilespmem:s6], [sflag:$0x1] =	stream.indirect.gather [hbm4b:s5+s6], $0x80, s2, s6, $0xb8;
	[tilespmem:$0x10200] =	vst v63  }
0x30: {  	_ =	swait.ge [sflag:s7], $0x10000  }
.Ltmp1:
0x31: {  	[sflag:s7] =	ssyncset.done $0x0;
	(pc) =	sbr.rel @p0 .LBB2_1-.Ltmp1, $4  }
0x32: {  	[sflag:s7] =	ssyncadd.s32 $0xFFFF0000  }
0x33: {  	[hbm4b:s10+s2] =	stream.linear.scatter [tilespmem:s6], [sflag:$0x2], $0x10000, $0x38;
	[tilespmem:$0x10200] =	vst v63  }
0x34: {  	_ =	swait.ge [sflag:s3], $0x10000  }
0x35: {  	[sflag:s3] =	ssyncset.done $0x0  }
.LBB2_2:
0x36: {  	[sflag:s3] =	ssyncadd.s32 $0xFFFF0000  }
0x37: {  	_ =	sfence.sel $0x180000  }
0x38: {  	[bflag:$0x0] =	sbarrier.arrive $0xFFFF  }
0x39: {  	p0 =	sne.s32 s0, $0x0;
	_ =	strace $0x90000047  }
0x3a: {  	s0 =	sadd.s32 @!p0 $0x100000, s1;
	[bflag:$0x2] =	sbarrier.arrive $0xFFFF  }
0x3b: {  	[sflag:s0] =	ssyncadd.tile.s32 @!p0 $0x1;
	_ =	shalt  }
.Lfunc_end2:
_tile_overlayer_lowered:
.L_overlay_start_2:
0x3c: {  	(tag) =	ssettag $0x2  }
0x3d: {  	s0 =	rddreg [dreg:$0x0];
	s2 =	stileid.u32  }
0x3e: {  	s1 =	rddreg [dreg:$0x1];
	p0 =	sne.s32 s2, $0x0  }
0x3f: {  	s3 =	rddreg [dreg:$0x2];
	[bflag:$0x3] =	sbarrier.arrive $0xFFFF;
	s2 =	simm.s32 @!p0 $0x1C02  }
0x40: {  	[timem:s3], [sflag:s2] =	dma.local @!p0 [hbm:s0], s1  }
0x41: {  	s0 =	simm.s32 @!p0 $0x2  }
0x42: {  	_ =	swait.ge @!p0 [sflag:s0], s1  }
0x43: {  	s1 =	ssub.s32 @!p0 $0x0, s1;
	[sflag:s0] =	ssyncset.done @!p0 $0x0  }
0x44: {  	[sflag:s0] =	ssyncadd.s32 @!p0 s1  }
0x45: {  	[bflag:$0x3] =	sbarrier.arrive $0xFFFF  }
0x46: {  	_ =	shalt  }

</sc_bundles>
